<compile_context>
chip_gen: v7x
topology: tpu7x:2x2x1
jax: 0.10.2.dev20260603
libtpu: 0.0.44.dev20260713+nightly
codegen_flags: <defaults>
</compile_context>

<pallas_src>
import functools

import jax
import jax.numpy as jnp
from jax import lax
from jax.experimental import pallas as pl
from jax.experimental.pallas import tpu as pltpu
from jax.experimental.pallas import tpu_sc as plsc

_VOCAB = 100000
_HIDDEN = 64
_BATCH = 1024
_HIST = 200

_NC = 2
_NS = 16
_NW = _NC * _NS
_BPW = _BATCH // _NW
_HALF = _HIST // 2


def _pool_body(x_hbm, table_hbm, ctx_hbm, idx_v, rows_v, ctx_v, sem):
    wid = lax.axis_index("s") * _NC + lax.axis_index("c")
    base = wid * _BPW
    pltpu.sync_copy(x_hbm.at[pl.ds(base, _BPW)], idx_v)

    def row(r, carry):
        cp0 = pltpu.async_copy(
            table_hbm.at[idx_v.at[r, 0]], rows_v.at[pl.ds(0, _HALF)], sem)
        cp1 = pltpu.async_copy(
            table_hbm.at[idx_v.at[r, 1]], rows_v.at[pl.ds(_HALF, _HALF)], sem)
        cp0.wait()
        cp1.wait()

        def red(t, accs):
            a0, a1, a2, a3 = accs
            a0 = a0 + rows_v[t, pl.ds(0, 16)]
            a1 = a1 + rows_v[t, pl.ds(16, 16)]
            a2 = a2 + rows_v[t, pl.ds(32, 16)]
            a3 = a3 + rows_v[t, pl.ds(48, 16)]
            return (a0, a1, a2, a3)

        z = jnp.zeros((16,), jnp.float32)
        a0, a1, a2, a3 = lax.fori_loop(0, _HIST, red, (z, z, z, z))
        s = jnp.float32(1.0 / _HIST)
        ctx_v[r, pl.ds(0, 16)] = a0 * s
        ctx_v[r, pl.ds(16, 16)] = a1 * s
        ctx_v[r, pl.ds(32, 16)] = a2 * s
        ctx_v[r, pl.ds(48, 16)] = a3 * s
        return carry

    lax.fori_loop(0, _BPW, row, 0)
    pltpu.sync_copy(ctx_v, ctx_hbm.at[pl.ds(base, _BPW)])


@functools.partial(
    pl.kernel,
    out_type=jax.ShapeDtypeStruct((_BATCH, _HIDDEN), jnp.float32),
    mesh=plsc.VectorSubcoreMesh(core_axis_name="c", subcore_axis_name="s"),
    scratch_types=[
        pltpu.VMEM((_BPW, 2, _HALF), jnp.int32),
        pltpu.VMEM((_HIST, _HIDDEN), jnp.float32),
        pltpu.VMEM((_BPW, _HIDDEN), jnp.float32),
        pltpu.SemaphoreType.DMA,
    ],
    compiler_params=pltpu.CompilerParams(use_tc_tiling_on_sc=False),
)
def _pool(x_hbm, table_hbm, ctx_hbm, idx_v, rows_v, ctx_v, sem):
    _pool_body(x_hbm, table_hbm, ctx_hbm, idx_v, rows_v, ctx_v, sem)


_BV = 2048


def _mm_body(ctx_ref, w_ref, b_ref, out_ref):
    out_ref[...] = lax.dot_general(
        ctx_ref[...], w_ref[...],
        dimension_numbers=(((1,), (1,)), ((), ())),
        preferred_element_type=jnp.float32,
    ) + b_ref[...]


def _matmul(context, W, b2):
    return pl.pallas_call(
        _mm_body,
        grid=(pl.cdiv(_VOCAB, _BV),),
        in_specs=[
            pl.BlockSpec((_BATCH, _HIDDEN), lambda j: (0, 0)),
            pl.BlockSpec((_BV, _HIDDEN), lambda j: (j, 0)),
            pl.BlockSpec((1, _BV), lambda j: (0, j)),
        ],
        out_specs=pl.BlockSpec((_BATCH, _BV), lambda j: (0, j)),
        out_shape=jax.ShapeDtypeStruct((_BATCH, _VOCAB), jnp.float32),
        compiler_params=pltpu.CompilerParams(
            dimension_semantics=("arbitrary",)),
    )(context, W, b2)


def kernel(x, table, W, b):
    x3 = x.astype(jnp.int32).reshape(_BATCH, 2, _HALF)
    context = _pool(x3, table)
    return _matmul(context, W, b.reshape(1, _VOCAB))

# --- scband reference (transcript-rebuilt; emitter-appended) ---
"""Pipeline reference for scband-semantic-model-46626164965768 (READ-ONLY COPY).

The authoritative reference and input builder live on the scoring server;
editing this copy changes nothing except your own understanding.
"""

import jax, jax.numpy as jnp
import numpy as np

VOCAB = 100000
HIDDEN = 64
BATCH = 1024
HIST = 200


def setup_inputs(seed: int = 0) -> dict:
    key = jax.random.key(seed)
    k1, k2, k3 = jax.random.split(key, 3)
    x = jax.random.randint(k1, (BATCH, HIST), 0, VOCAB)
    table = jax.random.normal(k2, (VOCAB, HIDDEN), dtype=jnp.float32) * 0.02
    # padding_idx=0: torch zero-initializes that row
    table = table.at[0].set(0.0)
    W = jax.random.normal(k3, (VOCAB, HIDDEN), dtype=jnp.float32) * 0.02
    b = jnp.zeros((VOCAB,), dtype=jnp.float32)
    return {"x": x, "table": table, "W": W, "b": b}


def reference(x, table, W, b):
    # embs = self._emb(x)
    embs = jnp.take(table, x, axis=0)          # [B, L, H] gather (SparseCore)
    # context = embs.mean(dim=1)
    context = embs.mean(axis=1)                # [B, H]
    # return self._out(context)
    return context @ W.T + b                   # [B, V]

if __name__ == "__main__":
    import jax
    _d = setup_inputs()
    print(jax.jit(kernel)(*tuple(_d.values())))

</pallas_src>

<mosaic_0001>
#map = affine_map<(d0, d1) -> (0, 0, 0)>
#map1 = affine_map<(d0, d1) -> (0, 0)>
module attributes {stable_mosaic.version = 14 : i64} {
  func.func @_pool(%arg0: i32, %arg1: i32, %arg2: memref<1024x2x100xi32, #tpu.memory_space<hbm>>, %arg3: memref<100000x64xf32, #tpu.memory_space<hbm>>, %arg4: memref<1024x64xf32, #tpu.memory_space<hbm>>, %arg5: memref<32x2x100xi32, #tpu.memory_space<vmem>>, %arg6: memref<200x64xf32, #tpu.memory_space<vmem>>, %arg7: memref<32x64xf32, #tpu.memory_space<vmem>>, %arg8: memref<!tpu.dma_semaphore, #tpu.memory_space<semaphore_mem>>) attributes {dimension_semantics = [#tpu.dimension_semantics<core_parallel>, #tpu.dimension_semantics<subcore_parallel>], iteration_bounds = array<i64: 2, 16>, scalar_prefetch = 0 : i64, scratch_operands = 4 : i64, tpu.core_type = #tpu.core_type<sc_vector_subcore>, window_params = [{transform_indices = #map}, {transform_indices = #map1}, {transform_indices = #map1}]} {
    %mul3A = arith.constant 2 : i32
    %mul3A_0 = arith.muli %arg1, %mul3A : i32
    %add3A = arith.addi %mul3A_0, %arg0 : i32
    %mul3A_1 = arith.constant 32 : i32
    %mul3A_2 = arith.muli %add3A, %mul3A_1 : i32
    "tpu.region"() ({
      %run_scoped3A = tpu.sem_alloc : memref<!tpu.dma_semaphore, #tpu.memory_space<semaphore_mem>>
      %dma_start3A = arith.constant 0 : i32
      %dma_start3A_8 = arith.constant 0 : i32
      %dma_start3A_9 = tpu.memref_slice %arg2[%mul3A_2, %dma_start3A, %dma_start3A_8] : memref<1024x2x100xi32, #tpu.memory_space<hbm>> -> memref<32x2x100xi32, #tpu.memory_space<hbm>>
      %dma_start3A_10 = arith.constant 0 : i32
      %dma_start3A_11 = arith.constant 0 : i32
      %dma_start3A_12 = tpu.memref_slice %arg2[%mul3A_2, %dma_start3A_10, %dma_start3A_11] : memref<1024x2x100xi32, #tpu.memory_space<hbm>> -> memref<32x2x100xi32, #tpu.memory_space<hbm>>
      tpu.enqueue_dma source(%dma_start3A_12 : memref<32x2x100xi32, #tpu.memory_space<hbm>>) target(%arg5 : memref<32x2x100xi32, #tpu.memory_space<vmem>>) target_semaphore(%run_scoped3A : memref<!tpu.dma_semaphore, #tpu.memory_space<semaphore_mem>>)
      %dma_wait3A = arith.constant 0 : i32
      %dma_wait3A_13 = arith.constant 0 : i32
      %dma_wait3A_14 = tpu.memref_slice %arg2[%mul3A_2, %dma_wait3A, %dma_wait3A_13] : memref<1024x2x100xi32, #tpu.memory_space<hbm>> -> memref<32x2x100xi32, #tpu.memory_space<hbm>>
      %dma_wait3A_15 = arith.constant 0 : i32
      %dma_wait3A_16 = arith.constant 0 : i32
      %dma_wait3A_17 = tpu.memref_slice %arg2[%mul3A_2, %dma_wait3A_15, %dma_wait3A_16] : memref<1024x2x100xi32, #tpu.memory_space<hbm>> -> memref<32x2x100xi32, #tpu.memory_space<hbm>>
      tpu.wait_dma2 semaphore(%run_scoped3A : memref<!tpu.dma_semaphore, #tpu.memory_space<semaphore_mem>>) src(%dma_wait3A_17 : memref<32x2x100xi32, #tpu.memory_space<hbm>>) dst(%arg5 : memref<32x2x100xi32, #tpu.memory_space<vmem>>)
      tpu.yield
    }) : () -> ()
    %scan3A = arith.constant 0 : i32
    %scan3A_3 = arith.constant 0 : i32
    %scan3A_4 = arith.constant 32 : i32
    %scan3A_5 = arith.addi %scan3A_3, %scan3A_4 : i32
    %scan3A_6 = arith.constant 1 : i32
    scf.for %scan3A_8 = %scan3A_3 to %scan3A_5 step %scan3A_6  : i32 {
      %dma_start3A = arith.constant 0 : i32
      %dma_start3A_9 = arith.constant 0 : i32
      %dma_start3A_10 = arith.constant 0 : i32
      %dma_start3A_11 = tpu.memref_slice %arg6[%dma_start3A_9, %dma_start3A_10] : memref<200x64xf32, #tpu.memory_space<vmem>> -> memref<100x64xf32, #tpu.memory_space<vmem>>
      %dma_start3A_12 = arith.constant 0 : i32
      %dma_start3A_13 = tpu.memref_slice %arg5[%scan3A_8, %dma_start3A, %dma_start3A_12] : memref<32x2x100xi32, #tpu.memory_space<vmem>> -> memref<1x1x100xi32, #tpu.memory_space<vmem>>
      %dma_start3A_14 = tpu.memref_squeeze %dma_start3A_13 : memref<1x1x100xi32, #tpu.memory_space<vmem>> -> memref<100xi32, #tpu.memory_space<vmem>>
      %dma_start3A_15 = arith.constant 0 : i32
      %dma_start3A_16 = arith.constant 0 : i32
      %dma_start3A_17 = tpu.memref_slice %arg3[%dma_start3A_15, %dma_start3A_16] : memref<100000x64xf32, #tpu.memory_space<hbm>> -> memref<100000x64xf32, #tpu.memory_space<hbm>>
      tpu.enqueue_indirect_dma source(%dma_start3A_17 : memref<100000x64xf32, #tpu.memory_space<hbm>>) target(%dma_start3A_11 : memref<100x64xf32, #tpu.memory_space<vmem>>) offsets(%dma_start3A_14 : memref<100xi32, #tpu.memory_space<vmem>>) semaphore(%arg8 : memref<!tpu.dma_semaphore, #tpu.memory_space<semaphore_mem>>)
      %dma_start3A_18 = arith.constant 1 : i32
      %dma_start3A_19 = arith.constant 100 : i32
      %dma_start3A_20 = arith.constant 0 : i32
      %dma_start3A_21 = tpu.memref_slice %arg6[%dma_start3A_19, %dma_start3A_20] : memref<200x64xf32, #tpu.memory_space<vmem>> -> memref<100x64xf32, #tpu.memory_space<vmem>>
      %dma_start3A_22 = arith.constant 0 : i32
      %dma_start3A_23 = tpu.memref_slice %arg5[%scan3A_8, %dma_start3A_18, %dma_start3A_22] : memref<32x2x100xi32, #tpu.memory_space<vmem>> -> memref<1x1x100xi32, #tpu.memory_space<vmem>>
      %dma_start3A_24 = tpu.memref_squeeze %dma_start3A_23 : memref<1x1x100xi32, #tpu.memory_space<vmem>> -> memref<100xi32, #tpu.memory_space<vmem>>
      %dma_start3A_25 = arith.constant 0 : i32
      %dma_start3A_26 = arith.constant 0 : i32
      %dma_start3A_27 = tpu.memref_slice %arg3[%dma_start3A_25, %dma_start3A_26] : memref<100000x64xf32, #tpu.memory_space<hbm>> -> memref<100000x64xf32, #tpu.memory_space<hbm>>
      tpu.enqueue_indirect_dma source(%dma_start3A_27 : memref<100000x64xf32, #tpu.memory_space<hbm>>) target(%dma_start3A_21 : memref<100x64xf32, #tpu.memory_space<vmem>>) offsets(%dma_start3A_24 : memref<100xi32, #tpu.memory_space<vmem>>) semaphore(%arg8 : memref<!tpu.dma_semaphore, #tpu.memory_space<semaphore_mem>>)
      %dma_wait3A = arith.constant 0 : i32
      %dma_wait3A_28 = arith.constant 0 : i32
      %dma_wait3A_29 = arith.constant 0 : i32
      %dma_wait3A_30 = tpu.memref_slice %arg6[%dma_wait3A_28, %dma_wait3A_29] : memref<200x64xf32, #tpu.memory_space<vmem>> -> memref<100x64xf32, #tpu.memory_space<vmem>>
      %dma_wait3A_31 = arith.constant 0 : i32
      %dma_wait3A_32 = tpu.memref_slice %arg5[%scan3A_8, %dma_wait3A, %dma_wait3A_31] : memref<32x2x100xi32, #tpu.memory_space<vmem>> -> memref<1x1x100xi32, #tpu.memory_space<vmem>>
      %dma_wait3A_33 = tpu.memref_squeeze %dma_wait3A_32 : memref<1x1x100xi32, #tpu.memory_space<vmem>> -> memref<100xi32, #tpu.memory_space<vmem>>
      %dma_wait3A_34 = arith.constant 0 : i32
      %dma_wait3A_35 = arith.constant 0 : i32
      %dma_wait3A_36 = tpu.memref_slice %arg3[%dma_wait3A_34, %dma_wait3A_35] : memref<100000x64xf32, #tpu.memory_space<hbm>> -> memref<100000x64xf32, #tpu.memory_space<hbm>>
      tpu.wait_indirect_dma semaphore(%arg8 : memref<!tpu.dma_semaphore, #tpu.memory_space<semaphore_mem>>) src(%dma_wait3A_36 : memref<100000x64xf32, #tpu.memory_space<hbm>>) dst(%dma_wait3A_30 : memref<100x64xf32, #tpu.memory_space<vmem>>)
      %dma_wait3A_37 = arith.constant 1 : i32
      %dma_wait3A_38 = arith.constant 100 : i32
      %dma_wait3A_39 = arith.constant 0 : i32
      %dma_wait3A_40 = tpu.memref_slice %arg6[%dma_wait3A_38, %dma_wait3A_39] : memref<200x64xf32, #tpu.memory_space<vmem>> -> memref<100x64xf32, #tpu.memory_space<vmem>>
      %dma_wait3A_41 = arith.constant 0 : i32
      %dma_wait3A_42 = tpu.memref_slice %arg5[%scan3A_8, %dma_wait3A_37, %dma_wait3A_41] : memref<32x2x100xi32, #tpu.memory_space<vmem>> -> memref<1x1x100xi32, #tpu.memory_space<vmem>>
      %dma_wait3A_43 = tpu.memref_squeeze %dma_wait3A_42 : memref<1x1x100xi32, #tpu.memory_space<vmem>> -> memref<100xi32, #tpu.memory_space<vmem>>
      %dma_wait3A_44 = arith.constant 0 : i32
      %dma_wait3A_45 = arith.constant 0 : i32
      %dma_wait3A_46 = tpu.memref_slice %arg3[%dma_wait3A_44, %dma_wait3A_45] : memref<100000x64xf32, #tpu.memory_space<hbm>> -> memref<100000x64xf32, #tpu.memory_space<hbm>>
      tpu.wait_indirect_dma semaphore(%arg8 : memref<!tpu.dma_semaphore, #tpu.memory_space<semaphore_mem>>) src(%dma_wait3A_46 : memref<100000x64xf32, #tpu.memory_space<hbm>>) dst(%dma_wait3A_40 : memref<100x64xf32, #tpu.memory_space<vmem>>)
      %broadcast_in_dim3A = arith.constant 0.000000e+00 : f32
      %broadcast_in_dim3A_47 = vector.broadcast %broadcast_in_dim3A : f32 to vector<16xf32>
      %scan3A_48 = arith.constant 0 : i32
      %scan3A_49 = arith.constant 200 : i32
      %scan3A_50 = arith.addi %scan3A_48, %scan3A_49 : i32
      %scan3A_51 = arith.constant 1 : i32
      %scan3A_52:4 = scf.for %scan3A_85 = %scan3A_48 to %scan3A_50 step %scan3A_51 iter_args(%scan3A_86 = %broadcast_in_dim3A_47, %scan3A_87 = %broadcast_in_dim3A_47, %scan3A_88 = %broadcast_in_dim3A_47, %scan3A_89 = %broadcast_in_dim3A_47) -> (vector<16xf32>, vector<16xf32>, vector<16xf32>, vector<16xf32>)  : i32 {
        %get3A = arith.index_cast %scan3A_85 : i32 to index
        %get3A_90 = arith.constant 0 : index
        %get3A_91 = tpu.vector_load %arg6[%get3A, %get3A_90] {strides = array<i32>} : memref<200x64xf32, #tpu.memory_space<vmem>>, vector<1x16xf32>,
        %get3A_92 = vector.shape_cast %get3A_91 : vector<1x16xf32> to vector<16xf32>
        %add3A_93 = arith.addf %scan3A_86, %get3A_92 : vector<16xf32>
        %get3A_94 = arith.index_cast %scan3A_85 : i32 to index
        %get3A_95 = arith.constant 16 : index
        %get3A_96 = tpu.vector_load %arg6[%get3A_94, %get3A_95] {strides = array<i32>} : memref<200x64xf32, #tpu.memory_space<vmem>>, vector<1x16xf32>,
        %get3A_97 = vector.shape_cast %get3A_96 : vector<1x16xf32> to vector<16xf32>
        %add3A_98 = arith.addf %scan3A_87, %get3A_97 : vector<16xf32>
        %get3A_99 = arith.index_cast %scan3A_85 : i32 to index
        %get3A_100 = arith.constant 32 : index
        %get3A_101 = tpu.vector_load %arg6[%get3A_99, %get3A_100] {strides = array<i32>} : memref<200x64xf32, #tpu.memory_space<vmem>>, vector<1x16xf32>,
        %get3A_102 = vector.shape_cast %get3A_101 : vector<1x16xf32> to vector<16xf32>
        %add3A_103 = arith.addf %scan3A_88, %get3A_102 : vector<16xf32>
        %get3A_104 = arith.index_cast %scan3A_85 : i32 to index
        %get3A_105 = arith.constant 48 : index
        %get3A_106 = tpu.vector_load %arg6[%get3A_104, %get3A_105] {strides = array<i32>} : memref<200x64xf32, #tpu.memory_space<vmem>>, vector<1x16xf32>,
        %get3A_107 = vector.shape_cast %get3A_106 : vector<1x16xf32> to vector<16xf32>
        %add3A_108 = arith.addf %scan3A_89, %get3A_107 : vector<16xf32>
        scf.yield %add3A_93, %add3A_98, %add3A_103, %add3A_108 : vector<16xf32>, vector<16xf32>, vector<16xf32>, vector<16xf32>
      }
      %scan3A_53 = arith.constant 200 : i32
      %mul3A_54 = arith.constant 5.000000e-03 : f32
      %mul3A_55 = vector.broadcast %mul3A_54 : f32 to vector<16xf32>
      %mul3A_56 = arith.mulf %scan3A_52#0, %mul3A_55 : vector<16xf32>
      %swap3A = arith.index_cast %scan3A_8 : i32 to index
      %swap3A_57 = arith.constant 0 : index
      %swap3A_58 = tpu.vector_load %arg7[%swap3A, %swap3A_57] {strides = array<i32>} : memref<32x64xf32, #tpu.memory_space<vmem>>, vector<1x16xf32>,
      %swap3A_59 = vector.shape_cast %swap3A_58 : vector<1x16xf32> to vector<16xf32>
      %swap3A_60 = vector.shape_cast %mul3A_56 : vector<16xf32> to vector<1x16xf32>
      tpu.vector_store %arg7[%swap3A, %swap3A_57], %swap3A_60 {strides = array<i32>} : memref<32x64xf32, #tpu.memory_space<vmem>>, vector<1x16xf32>,
      %mul3A_61 = arith.constant 5.000000e-03 : f32
      %mul3A_62 = vector.broadcast %mul3A_61 : f32 to vector<16xf32>
      %mul3A_63 = arith.mulf %scan3A_52#1, %mul3A_62 : vector<16xf32>
      %swap3A_64 = arith.index_cast %scan3A_8 : i32 to index
      %swap3A_65 = arith.constant 16 : index
      %swap3A_66 = tpu.vector_load %arg7[%swap3A_64, %swap3A_65] {strides = array<i32>} : memref<32x64xf32, #tpu.memory_space<vmem>>, vector<1x16xf32>,
      %swap3A_67 = vector.shape_cast %swap3A_66 : vector<1x16xf32> to vector<16xf32>
      %swap3A_68 = vector.shape_cast %mul3A_63 : vector<16xf32> to vector<1x16xf32>
      tpu.vector_store %arg7[%swap3A_64, %swap3A_65], %swap3A_68 {strides = array<i32>} : memref<32x64xf32, #tpu.memory_space<vmem>>, vector<1x16xf32>,
      %mul3A_69 = arith.constant 5.000000e-03 : f32
      %mul3A_70 = vector.broadcast %mul3A_69 : f32 to vector<16xf32>
      %mul3A_71 = arith.mulf %scan3A_52#2, %mul3A_70 : vector<16xf32>
      %swap3A_72 = arith.index_cast %scan3A_8 : i32 to index
      %swap3A_73 = arith.constant 32 : index
      %swap3A_74 = tpu.vector_load %arg7[%swap3A_72, %swap3A_73] {strides = array<i32>} : memref<32x64xf32, #tpu.memory_space<vmem>>, vector<1x16xf32>,
      %swap3A_75 = vector.shape_cast %swap3A_74 : vector<1x16xf32> to vector<16xf32>
      %swap3A_76 = vector.shape_cast %mul3A_71 : vector<16xf32> to vector<1x16xf32>
      tpu.vector_store %arg7[%swap3A_72, %swap3A_73], %swap3A_76 {strides = array<i32>} : memref<32x64xf32, #tpu.memory_space<vmem>>, vector<1x16xf32>,
      %mul3A_77 = arith.constant 5.000000e-03 : f32
      %mul3A_78 = vector.broadcast %mul3A_77 : f32 to vector<16xf32>
      %mul3A_79 = arith.mulf %scan3A_52#3, %mul3A_78 : vector<16xf32>
      %swap3A_80 = arith.index_cast %scan3A_8 : i32 to index
      %swap3A_81 = arith.constant 48 : index
      %swap3A_82 = tpu.vector_load %arg7[%swap3A_80, %swap3A_81] {strides = array<i32>} : memref<32x64xf32, #tpu.memory_space<vmem>>, vector<1x16xf32>,
      %swap3A_83 = vector.shape_cast %swap3A_82 : vector<1x16xf32> to vector<16xf32>
      %swap3A_84 = vector.shape_cast %mul3A_79 : vector<16xf32> to vector<1x16xf32>
      tpu.vector_store %arg7[%swap3A_80, %swap3A_81], %swap3A_84 {strides = array<i32>} : memref<32x64xf32, #tpu.memory_space<vmem>>, vector<1x16xf32>,
    }
    %scan3A_7 = arith.constant 32 : i32
    "tpu.region"() ({
      %run_scoped3A = tpu.sem_alloc : memref<!tpu.dma_semaphore, #tpu.memory_space<semaphore_mem>>
      %dma_start3A = arith.constant 0 : i32
      %dma_start3A_8 = tpu.memref_slice %arg4[%mul3A_2, %dma_start3A] : memref<1024x64xf32, #tpu.memory_space<hbm>> -> memref<32x64xf32, #tpu.memory_space<hbm>>
      %dma_start3A_9 = arith.constant 0 : i32
      %dma_start3A_10 = tpu.memref_slice %arg4[%mul3A_2, %dma_start3A_9] : memref<1024x64xf32, #tpu.memory_space<hbm>> -> memref<32x64xf32, #tpu.memory_space<hbm>>
      tpu.enqueue_dma source(%arg7 : memref<32x64xf32, #tpu.memory_space<vmem>>) target(%dma_start3A_10 : memref<32x64xf32, #tpu.memory_space<hbm>>) target_semaphore(%run_scoped3A : memref<!tpu.dma_semaphore, #tpu.memory_space<semaphore_mem>>)
      %dma_wait3A = arith.constant 0 : i32
      %dma_wait3A_11 = tpu.memref_slice %arg4[%mul3A_2, %dma_wait3A] : memref<1024x64xf32, #tpu.memory_space<hbm>> -> memref<32x64xf32, #tpu.memory_space<hbm>>
      %dma_wait3A_12 = arith.constant 0 : i32
      %dma_wait3A_13 = tpu.memref_slice %arg4[%mul3A_2, %dma_wait3A_12] : memref<1024x64xf32, #tpu.memory_space<hbm>> -> memref<32x64xf32, #tpu.memory_space<hbm>>
      tpu.wait_dma2 semaphore(%run_scoped3A : memref<!tpu.dma_semaphore, #tpu.memory_space<semaphore_mem>>) src(%arg7 : memref<32x64xf32, #tpu.memory_space<vmem>>) dst(%dma_wait3A_13 : memref<32x64xf32, #tpu.memory_space<hbm>>)
      tpu.yield
    }) : () -> ()
    return
  }
}

module attributes {stable_mosaic.version = 14 : i64} {
  func.func @_mm_body(%arg0: i32, %arg1: memref<1024x64xf32, #tpu.memory_space<vmem>>, %arg2: memref<2048x64xf32, #tpu.memory_space<vmem>>, %arg3: memref<1x2048xf32, #tpu.memory_space<vmem>>, %arg4: memref<1024x2048xf32, #tpu.memory_space<vmem>>) attributes {dimension_semantics = [#tpu.dimension_semantics<arbitrary>], iteration_bounds = array<i64: 49>, scalar_prefetch = 0 : i64, scratch_operands = 0 : i64, tpu.core_type = #tpu.core_type<tc>, window_params = [{pipeline_mode = #tpu.pipeline_mode<synchronous>, transform_indices = @transform_0, window_bounds = array<i64: 1024, 64>}, {transform_indices = @transform_1, window_bounds = array<i64: 2048, 64>}, {transform_indices = @transform_2, window_bounds = array<i64: 1, 2048>}, {transform_indices = @transform_3, window_bounds = array<i64: 1024, 2048>}]} {
    %get3A = arith.constant 0 : index
    %get3A_0 = arith.constant 0 : index
    %get3A_1 = vector.load %arg1[%get3A, %get3A_0] : memref<1024x64xf32, #tpu.memory_space<vmem>>, vector<1024x64xf32>
    %get3A_2 = arith.constant 0 : index
    %get3A_3 = arith.constant 0 : index
    %get3A_4 = vector.load %arg2[%get3A_2, %get3A_3] : memref<2048x64xf32, #tpu.memory_space<vmem>>, vector<2048x64xf32>
    %dot_general3A = arith.constant dense<0.000000e+00> : vector<1024x2048xf32>
    %dot_general3A_5 = tpu.matmul %get3A_1, %get3A_4, %dot_general3A {dimension_numbers = #tpu.dot_dimension_numbers<[1], [1], [0], [0], [0, 0, 1, 0], [], []>, transpose_lhs_hint = false} : vector<1024x64xf32>, vector<2048x64xf32>, vector<1024x2048xf32> -> vector<1024x2048xf32>
    %get3A_6 = arith.constant 0 : index
    %get3A_7 = arith.constant 0 : index
    %get3A_8 = vector.load %arg3[%get3A_6, %get3A_7] : memref<1x2048xf32, #tpu.memory_space<vmem>>, vector<1x2048xf32>
    %add3A = vector.broadcast %get3A_8 : vector<1x2048xf32> to vector<1024x2048xf32>
    %add3A_9 = arith.addf %dot_general3A_5, %add3A : vector<1024x2048xf32>
    %swap3A = arith.constant 0 : index
    %swap3A_10 = arith.constant 0 : index
    %swap3A_11 = vector.load %arg4[%swap3A, %swap3A_10] : memref<1024x2048xf32, #tpu.memory_space<vmem>>, vector<1024x2048xf32>
    tpu.vector_store %arg4[%swap3A, %swap3A_10], %add3A_9 {strides = array<i32>} : memref<1024x2048xf32, #tpu.memory_space<vmem>>, vector<1024x2048xf32>,
    return
  }
  func.func @transform_0(%arg0: i32) -> (i32, i32) {
    %c0_i32 = arith.constant 0 : i32
    %c0_i32_0 = arith.constant 0 : i32
    %c0_i32_1 = arith.constant 0 : i32
    return %c0_i32, %c0_i32_0 : i32, i32
  }
  func.func @transform_1(%arg0: i32) -> (i32, i32) {
    %c0_i32 = arith.constant 0 : i32
    %c0_i32_0 = arith.constant 0 : i32
    return %arg0, %c0_i32 : i32, i32
  }
  func.func @transform_2(%arg0: i32) -> (i32, i32) {
    %c0_i32 = arith.constant 0 : i32
    %c0_i32_0 = arith.constant 0 : i32
    return %c0_i32, %arg0 : i32, i32
  }
  func.func @transform_3(%arg0: i32) -> (i32, i32) {
    %c0_i32 = arith.constant 0 : i32
    %c0_i32_0 = arith.constant 0 : i32
    return %c0_i32, %arg0 : i32, i32
  }
}

</mosaic_0001>

<sc_bundles>
// kernel: kernel.4.cloned.1.call-start
scs
__scs_entry_jumppad:
0x0: {  	(pc) =	sbr.rel $0x88, $3  }
0x1: {  	(tag) =	ssettag $0x0;
	lr =	simm.s32 $0x1  }
0x2: {  	[smem:$0x3F9D] =	sst lr;
	_ =	strace $0xD0000000  }
0x3: {  	_ = 	snop  }
0x4: {  	_ = 	snop  }
0x5: {  	_ = 	snop  }
0x6: {  	_ = 	snop  }
0x7: {  	_ = 	snop  }
__scs_overlays_trampoline_lowered:
0x8: {  	[smem:$0x3FAC] =	sst s0  }
0x9: {  	[smem:$0x3FAD] =	sst s1  }
0xa: {  	[smem:$0x3FAE] =	sst s2  }
0xb: {  	[smem:$0x3FAF] =	sst s3  }
0xc: {  	[smem:$0x3FB0] =	sst s4  }
0xd: {  	[smem:$0x3FB1] =	sst s5  }
0xe: {  	[smem:$0x3FB2] =	sst s6  }
0xf: {  	[smem:$0x3FB3] =	sst s7  }
0x10: {  	[smem:$0x3FB4] =	sst s8  }
0x11: {  	[smem:$0x3FB5] =	sst s9;
	s0 =	simm.s32 @!p0 $0x0  }
0x12: {  	s1 =	sld [smem:$0x3F9B];
	s0 =	simm.s32 @p0 $0x1  }
0x13: {  	[smem:$0x3FB6] =	sst s0;
	s0 =	simm.s32 @!p1 $0x0  }
0x14: {  	s2 =	sld [smem:$0x3F9A];
	s0 =	simm.s32 @p1 $0x1  }
0x15: {  	[smem:$0x3FB7] =	sst s0;
	s0 =	simm.s32 @!p2 $0x0  }
0x16: {  	s3 =	sld [smem:$0x3FDB];
	s0 =	simm.s32 @p2 $0x1  }
0x17: {  	s4 =	simm.s32 $0x1BF5;
	[smem:$0x3FB9] =	sst s0  }
0x18: {  	s0 =	sld [smem:$0x3F9C];
	_ =	swait.ge [sflag:s4], $0x0  }
0x19: {  	s7 =	sld [smem:$0x3F9D]  }
0x1a: {  	s8 =	sadd.s32 $0xFFFFE003, lr  }
0x1b: {  	s9 =	sadd.s32 $0xFFFFFEF7, lr;
	s5 =	simm.s32 $0xFFFFFFFF;
	p2 =	slt.u32 s8, $0xFFFFF086  }
0x1c: {  	p1 =	slt.u32 s9, $0xF7A;
	s5 =	simm.s32 @!p2 $0x0  }
0x1d: {  	s5 =	simm.s32 @p1 $0x1;
	p0 =	seq.s32 s7, s2  }
0x1e: {  	s7 =	smul.u32 @!p0 $0xF7A, s2;
	p2 =	seq.s32 @!p0 s5, $0x0  }
0x1f: {  	s9 =	smul.u32 $0xF7A, s1;
	s8 =	simm.s32 @!p0 $0x1BF5;
	p2 =	por !p2, p0  }
0x20: {  	[sflag:s8] =	ssyncset.s32 @!p0 $0xFFFFF086;
	s6 =	sadd.s32 @!p0 s3, s7;
	s7 =	simm.s32 @!p0 $0x108  }
0x21: {  	s3 =	sadd.s32 s3, s9;
	s6 =	sadd.s32 @!p0 $0x88, s6;
	s7 =	simm.s32 @p2 $0x1082  }
0x22: {  	[simem:s7], [sflag:s8] =	dma.local @!p0 [hbm:s6], $0xF7A  }
0x23: {  	s9 =	sor.u32 $0xD0000000, s2;
	s6 =	simm.s32 $0x108;
	_ =	swait.ge @!p0 [sflag:s8], $0x0  }
0x24: {  	s3 =	sadd.s32 $0x88, s3;
	s6 =	simm.s32 @!p1 $0x1082;
	[sflag:s4] =	ssyncset.s32 $0xFFFFF086  }
0x25: {  	[simem:s6], [sflag:s4] =	dma.local [hbm:s3], $0xF7A  }
0x26: {  	[smem:$0x3F9D] =	sst s1;
	(tag) =	ssettag s2;
	_ =	strace s9  }
0x27: {  	s1 =	sld [smem:$0x3FAD]  }
0x28: {  	s2 =	sld [smem:$0x3FAE]  }
0x29: {  	s4 =	sld [smem:$0x3FB0]  }
0x2a: {  	p0 =	seq.s32 s5, $0x0;
	s5 =	sld [smem:$0x3FB1]  }
0x2b: {  	s6 =	sld [smem:$0x3FB2]  }
0x2c: {  	s7 =	sld [smem:$0x3FB3]  }
0x2d: {  	s3 =	simm.s32 $0x108;
	s8 =	sld [smem:$0x3FB4]  }
0x2e: {  	s3 =	simm.s32 @!p0 $0x1082;
	s9 =	sld [smem:$0x3FB5]  }
0x2f: {  	lr =	sadd.s32 s0, s3;
	s0 =	sld [smem:$0x3FAC]  }
0x30: {  	s3 =	sld [smem:$0x3FAF]  }
0x31: {  	[smem:$0x3FB8] =	sst s10  }
0x32: {  	s10 =	sld [smem:$0x3FB6];
	_ =	sdelay $0x3  }
0x33: {  	p0 =	seq.s32 s10, $0x1;
	s10 =	sld [smem:$0x3FB8];
	_ =	sdelay $0x3  }
0x34: {  	[smem:$0x3FB8] =	sst s10  }
0x35: {  	s10 =	sld [smem:$0x3FB7];
	_ =	sdelay $0x3  }
0x36: {  	p1 =	seq.s32 s10, $0x1;
	s10 =	sld [smem:$0x3FB8];
	_ =	sdelay $0x3  }
0x37: {  	[smem:$0x3FB8] =	sst s10  }
0x38: {  	s10 =	sld [smem:$0x3FB9]  }
0x39: {  	_ = 	snop;
	(pc) =	sbr.ind lr, $3  }
0x3a: {  	_ = 	snop  }
0x3b: {  	_ = 	snop  }
0x3c: {  	p2 =	seq.s32 s10, $0x1;
	s10 =	sld [smem:$0x3FB8]  }
0x3d: {  	_ =	shalt  }
0x3e: {  	_ =	shalt  }
0x3f: {  	_ =	shalt  }
0x40: {  	_ =	shalt  }
0x41: {  	_ =	shalt  }
0x42: {  	_ =	shalt  }
0x43: {  	_ =	shalt  }
0x44: {  	_ =	shalt  }
0x45: {  	_ =	shalt  }
0x46: {  	_ =	shalt  }
0x47: {  	_ =	shalt  }
0x48: {  	_ =	shalt  }
0x49: {  	_ =	shalt  }
0x4a: {  	_ =	shalt  }
0x4b: {  	_ =	shalt  }
0x4c: {  	_ =	shalt  }
0x4d: {  	_ =	shalt  }
0x4e: {  	_ =	shalt  }
0x4f: {  	_ =	shalt  }
0x50: {  	_ =	shalt  }
0x51: {  	_ =	shalt  }
0x52: {  	_ =	shalt  }
0x53: {  	_ =	shalt  }
0x54: {  	_ =	shalt  }
0x55: {  	_ =	shalt  }
0x56: {  	_ =	shalt  }
0x57: {  	_ =	shalt  }
0x58: {  	_ =	shalt  }
0x59: {  	_ =	shalt  }
0x5a: {  	_ =	shalt  }
0x5b: {  	_ =	shalt  }
0x5c: {  	_ =	shalt  }
0x5d: {  	_ =	shalt  }
0x5e: {  	_ =	shalt  }
0x5f: {  	_ =	shalt  }
0x60: {  	_ =	shalt  }
0x61: {  	_ =	shalt  }
0x62: {  	_ =	shalt  }
0x63: {  	_ =	shalt  }
0x64: {  	_ =	shalt  }
0x65: {  	_ =	shalt  }
0x66: {  	_ =	shalt  }
0x67: {  	_ =	shalt  }
0x68: {  	_ =	shalt  }
0x69: {  	_ =	shalt  }
0x6a: {  	_ =	shalt  }
0x6b: {  	_ =	shalt  }
0x6c: {  	_ =	shalt  }
0x6d: {  	_ =	shalt  }
0x6e: {  	_ =	shalt  }
0x6f: {  	_ =	shalt  }
0x70: {  	_ =	shalt  }
0x71: {  	_ =	shalt  }
0x72: {  	_ =	shalt  }
0x73: {  	_ =	shalt  }
0x74: {  	_ =	shalt  }
0x75: {  	_ =	shalt  }
0x76: {  	_ =	shalt  }
0x77: {  	_ =	shalt  }
0x78: {  	_ =	shalt  }
0x79: {  	_ =	shalt  }
0x7a: {  	_ =	shalt  }
0x7b: {  	_ =	shalt  }
0x7c: {  	_ =	shalt  }
0x7d: {  	_ =	shalt  }
0x7e: {  	_ =	shalt  }
0x7f: {  	_ =	shalt  }
0x80: {  	_ =	shalt  }
0x81: {  	_ =	shalt  }
0x82: {  	_ =	shalt  }
0x83: {  	_ =	shalt  }
0x84: {  	_ =	shalt  }
0x85: {  	_ =	shalt  }
0x86: {  	_ =	shalt  }
0x87: {  	_ =	shalt  }
.Lfunc_end0:
.L_simem_size_0:
called_computation_lowered:
.L_overlay_start_0:
0x88: {  	s2 =	sld [smem:$0x3FD9]  }
0x89: {  	s3 =	sld [smem:$0x3FFE];
	_ =	sdelay $0x1  }
0x8a: {  	s1 =	srdreg.scid  }
0x8b: {  	s0 =	sand.u32 $0x1, s1  }
0x8c: {  	s16 =	sshll.u32 s0, $0xA;
	s2 =	sadd.s32 s3, s2  }
0x8d: {  	s2 =	sadd.s32 s2, s16  }
0x8e: {  	[smem:$0x3FC4] =	sst s2  }
0x8f: {  	_ = 	snop  }
0x90: {  	(tm) =	ssettm $0x1  }
0x91: {  	s17 =	sld [smem:$0x3FFB];
	_ =	sdelay $0x3  }
0x92: {  	_ =	strace s17  }
0x93: {  	s2 =	sld [smem:$0x3FFC];
	_ =	sdelay $0x3  }
0x94: {  	_ =	strace s2  }
0x95: {  	s2 =	sld [smem:$0x3FFD];
	_ =	sdelay $0x3  }
0x96: {  	_ =	strace s2  }
0x97: {  	_ =	strace $0x8FFFFFFF  }
0x98: {  	s18 =	sld [smem:$0x3FDB];
	_ =	sdelay $0x1  }
0x99: {  	s19 =	simm.s32 $_scs_section_size  }
0x9a: {  	s4 =	simm.s32 $_size__tile_overlayer_lowered;
	s5 =	simm.s32 $_tile_overlayer_lowered  }
0x9b: {  	s22 =	simm.s32 $0x1BFF;
	s21 =	sshll.u32 s5, $0x1;
	s2 =	sadd.s32 s19, s18  }
0x9c: {  	s6 =	simm.s32 $0x0;
	s20 =	sshll.u32 s4, $0x1;
	s4 =	sadd.s32 s21, s2  }
0x9d: {  	[timem:s6], [sflag:s22] =	dma.local [hbm:s4], s20  }
0x9e: {  	_ =	swait.ge [sflag:s22], s20  }
0x9f: {  	s3 =	ssub.s32 $0x0, s20;
	[sflag:s22] =	ssyncset.done $0x0  }
0xa0: {  	[sflag:s22] =	ssyncadd.s32 s3;
	_ =	sdelay $0x1  }
0xa1: {  	s23 =	simm.s32 $0x1B8B  }
0xa2: {  	_ =	swait.ge [sflag:s23], $0x1  }
0xa3: {  	[sflag:s23] =	ssyncset.done $0x0  }
0xa4: {  	s25 =	simm.s32 $0x1B8E;
	s24 =	sld [smem:$0x3FFE];
	[sflag:s23] =	ssyncadd.s32 $0xFFFFFFFF  }
0xa5: {  	s26 =	simm.s32 $execute0_lowered;
	[smem:$0x3FD2] =	sst s25  }
0xa6: {  	s4 =	sshll.u32 s26, $0x1;
	_ =	strace $0x80000046;
	[dreg:$0x1] =	wrdreg $0xFFFFFFFF  }
0xa7: {  	s28 =	simm.s32 $_size_execute0_lowered;
	s2 =	sadd.s32 s2, s4;
	[dreg:$0x0] =	wrdreg $0x0  }
0xa8: {  	s4 =	sshll.u32 s28, $0x1;
	[dreg:$0x2] =	wrdreg s2  }
0xa9: {  	[dreg:$0x3] =	wrdreg s4  }
0xaa: {  	[dreg:$0x4] =	wrdreg $0xC0  }
0xab: {  	_ =	task [dreg:s6], $0x5FFFF  }
0xac: {  	[dreg:$0x1] =	wrdreg $0xFFFFFFFF  }
0xad: {  	[dreg:$0x0] =	wrdreg $0x60  }
0xae: {  	[dreg:$0x2] =	wrdreg s24  }
0xaf: {  	[dreg:$0x3] =	wrdreg $0x9  }
0xb0: {  	_ =	task.clear_ibuf [dreg:s6], $0x4FFFF;
	_ =	strace $0x90000046  }
0xb1: {  	s29 =	simm.s32 $0x9;
	_ =	strace $0x80000048  }
0xb2: {  	_ =	swait.ge [sflag:s29], $0x1  }
0xb3: {  	[sflag:s29] =	ssyncadd.s32 $0xFFFFFFFF  }
0xb4: {  	_ =	strace $0x90000048  }
0xb5: {  	_ =	sfence  }
0xb6: {  	s30 =	sld [smem:$0x0];
	_ =	sdelay $0x2  }
0xb7: {  	s31 =	sshll.u32 s1, $0xD;
	s1 =	sshrl.u32 s1, $0x2  }
0xb8: {  	s3 =	sand.u32 $0x4000, s31;
	s1 =	sadd.s32 s1, s30  }
0xb9: {  	s0 =	sor.u32 s3, s0;
	s1 =	sshll.u32 s1, $0x11  }
0xba: {  	s0 =	sor.u32 s1, s0  }
0xbb: {  	s0 =	sadd.s32 $0x8F2B, s0  }
0xbc: {  	[sflag:s0] =	ssyncadd.remote.s32 $0x1  }
0xbd: {  	_ =	sfence.sel $0xFFFF  }
0xbe: {  	[dreg:$0x0] =	wrdreg $0xFFFFFFFF;
	(pc) =	sbr.abs _section_cstart, $3  }
0xbf: {  	[dreg:$0x1] =	wrdreg $0xFFFFFFFF  }
0xc0: {  	_ =	task.clear_ibuf [dreg:s6], $0x2FFFF;
	_ =	strace $0x9FFFFFFF  }
0xc1: {  	(tm) =	ssettm $0x7FFFFFFF  }
tec
execute0_lowered:
.L_overlay_start_1:
0x0: {  	(tag) =	ssettag $0x1  }
0x1: {  	s1 =	srdreg.scid;
	s0 =	stileid.u32  }
0x2: {  	s4 =	rddreg [dreg:$0x0];
	s9 =	simm.s32 $0x1A00;
	s10 =	simm.s32 $0x3300  }
0x3: {  	s11 =	simm.s32 $0x1;
	s12 =	simm.s32 $0x4C00;
	s13 =	simm.s32 $0x0  }
0x4: {  	s3 =	sand.u32 $0x1, s1;
	s31 =	sshll.u32 s0, $0x6;
	s1 =	rddreg [dreg:$0x1]  }
0x5: {  	s2 =	sshll.u32 s3, $0x5;
	s7 =	ssub.s32 $0x2, s3;
	s3 =	sadd.s32 $0x8A00, s4  }
0x6: {  	s5 =	sor.u32 s2, s31;
	s2 =	simm.s32 $0x0;
	s8 =	sshrl.u32 s7, $0x1  }
0x7: {  	s6 =	smul.u32 $0x1A, s5;
	[smem:$0x7FF] =	sst s2;
	s5 =	sshll.u32 s5, $0x3  }
0x8: {  	s7 =	ssub.s32 s7, s8;
	s8 =	simm.s32 $0x64;
	s5 =	sadd.s32 s5, s4  }
0x9: {  	_ =	strace $0x80000047;
	s6 =	sadd.s32 s6, s4;
	s5 =	sadd.s32 $0xCC000, s5  }
0xa: {  	s4 =	sadd.s32 $0x2200, s6;
	s6 =	smax.u32 s7, $0x1;
	s7 =	simm.s32 $0x2  }
.LBB2_1:
0xb: {  	[tilespmem:s2], [sflag:$0x2] =	stream.linear.gather [hbm4b:s4+s2], $0x1A00, $0x38;
	[tilespmem:$0x5400] =	vst v63  }
0xc: {  	_ =	swait.ge [sflag:s7], $0x1A00  }
0xd: {  	[sflag:s7] =	ssyncset.done $0x0  }
0xe: {  	s14 =	simm.s32 $0x0;
	[sflag:s7] =	ssyncadd.s32 $0xFFFFE600  }
.LBB2_2:
0xf: {  	s15 =	smul.u32 $0x340, s14;
	_ =	sdelay $0x1  }
0x10: {  	s15 =	sshra.s32 s15, $0x2  }
0x11: {  	[tilespmem:s9], [sflag:$0x1] =	stream.indirect.gather [hbm4b:s3+s8], $0x40, s15, s8, $0xb8;
	[tilespmem:$0x5400] =	vst v63  }
0x12: {  	s15 =	sadd.s32 $0x68, s15  }
0x13: {  	[tilespmem:s10], [sflag:$0x1] =	stream.indirect.gather [hbm4b:s3+s8], $0x40, s15, s8, $0xb8;
	[tilespmem:$0x5400] =	vst v63  }
0x14: {  	_ =	swait.ge [sflag:s11], $0x1900  }
0x15: {  	[sflag:s11] =	ssyncset.done $0x0  }
0x16: {  	[sflag:s11] =	ssyncadd.s32 $0xFFFFE700  }
0x17: {  	_ =	swait.ge [sflag:s11], $0x1900  }
0x18: {  	[sflag:s11] =	ssyncset.done $0x0  }
0x19: {  	s16 =	simm.s32 $0x0;
	[sflag:s11] =	ssyncadd.s32 $0xFFFFE700  }
0x1a: {  	v1 =	vld [tilespmem:s16+$0x1A30]  }
0x1b: {  	v2 =	vld [tilespmem:s16+$0x1A00]  }
0x1c: {  	v0 =	vimm.f32 $0.0e+00;
	v3 =	vld [tilespmem:s16+$0x1A10]  }
0x1d: {  	v5 =	vimm.f32 $0.0e+00;
	v6 =	vimm.f32 $0.0e+00;
	v7 =	vimm.f32 $0.0e+00;
	s15 =	simm.s32 $0x100;
	v4 =	vld [tilespmem:s16+$0x1A20]  }
.LBB2_3:
0x1e: {  	p0 =	sne.s32 s15, $0xC700  }
.Ltmp0:
0x1f: {  	s16 =	sshra.s32 s15, $0x2;
	s15 =	sadd.s32 $0x100, s15;
	v0 =	vadd.f32 v1, v0;
	(pc) =	sbr.rel @p0 .LBB2_3-.Ltmp0, $4  }
0x20: {  	v1 =	vld [tilespmem:s16+$0x1A30];
	v5 =	vadd.f32 v2, v5  }
0x21: {  	v2 =	vld [tilespmem:s16+$0x1A00];
	v6 =	vadd.f32 v3, v6  }
0x22: {  	v3 =	vld [tilespmem:s16+$0x1A10];
	v7 =	vadd.f32 v4, v7  }
0x23: {  	v4 =	vld [tilespmem:s16+$0x1A20]  }
0x24: {  	_ = 	snop  }
0x25: {  	v0 =	vadd.f32 v1, v0  }
0x26: {  	s15 =	sshll.u32 s14, $0x6;
	s14 =	sadd.s32 $0x1, s14;
	v2 =	vadd.f32 v2, v5  }
0x27: {  	p0 =	sne.s32 s14, $0x20;
	v3 =	vadd.f32 v3, v6;
	v0 =	vmul.f32 $4.999999890e-03, v0  }
.Ltmp1:
0x28: {  	s15 =	sand.u32 $0x3FFFFFC0, s15;
	v4 =	vadd.f32 v4, v7;
	v2 =	vmul.f32 $4.999999890e-03, v2;
	(pc) =	sbr.rel @p0 .LBB2_2-.Ltmp1, $4  }
0x29: {  	v62 =	vmul.f32 $4.999999890e-03, v3;
	[tilespmem:s15+$0x4C30] =	vst v0  }
0x2a: {  	[tilespmem:s15+$0x4C00] =	vst v2;
	v63 =	vmul.f32 $4.999999890e-03, v4  }
0x2b: {  	[tilespmem:s15+$0x4C10] =	vst v62  }
0x2c: {  	[tilespmem:s15+$0x4C20] =	vst v63  }
0x2d: {  	s13 =	sadd.s32 $0x1, s13  }
0x2e: {  	p0 =	sne.s32 s13, s6  }
.Ltmp2:
0x2f: {  	_ = 	snop;
	(pc) =	sbr.rel @p0 .LBB2_1-.Ltmp2, $4  }
0x30: {  	[hbm4b:s5+s2] =	stream.linear.scatter [tilespmem:s12], [sflag:$0x2], $0x800, $0x38;
	[tilespmem:$0x5400] =	vst v63  }
0x31: {  	_ =	swait.ge [sflag:s7], $0x800  }
0x32: {  	[sflag:s7] =	ssyncset.done $0x0  }
0x33: {  	[sflag:s7] =	ssyncadd.s32 $0xFFFFF800  }
0x34: {  	_ =	sfence.sel $0x180000  }
0x35: {  	[bflag:$0x0] =	sbarrier.arrive $0xFFFF  }
0x36: {  	p0 =	sne.s32 s0, $0x0;
	_ =	strace $0x90000047  }
0x37: {  	s0 =	sadd.s32 @!p0 $0x100000, s1;
	[bflag:$0x2] =	sbarrier.arrive $0xFFFF  }
0x38: {  	[sflag:s0] =	ssyncadd.tile.s32 @!p0 $0x1;
	_ =	shalt  }
.Lfunc_end2:
_tile_overlayer_lowered:
.L_overlay_start_2:
0x39: {  	(tag) =	ssettag $0x2  }
0x3a: {  	s0 =	rddreg [dreg:$0x0];
	s2 =	stileid.u32  }
0x3b: {  	s1 =	rddreg [dreg:$0x1];
	p0 =	sne.s32 s2, $0x0  }
0x3c: {  	s3 =	rddreg [dreg:$0x2];
	[bflag:$0x3] =	sbarrier.arrive $0xFFFF;
	s2 =	simm.s32 @!p0 $0x1C02  }
0x3d: {  	[timem:s3], [sflag:s2] =	dma.local @!p0 [hbm:s0], s1  }
0x3e: {  	s0 =	simm.s32 @!p0 $0x2  }
0x3f: {  	_ =	swait.ge @!p0 [sflag:s0], s1  }
0x40: {  	s1 =	ssub.s32 @!p0 $0x0, s1;
	[sflag:s0] =	ssyncset.done @!p0 $0x0  }
0x41: {  	[sflag:s0] =	ssyncadd.s32 @!p0 s1  }
0x42: {  	[bflag:$0x3] =	sbarrier.arrive $0xFFFF  }
0x43: {  	_ =	shalt  }

</sc_bundles>
